<compile_context>
chip_gen: v7x
topology: tpu7x:2x2x1
jax: 0.10.2.dev20260603
libtpu: 0.0.44.dev20260713+nightly
codegen_flags: <defaults>
</compile_context>

<pallas_src>
import functools

import jax
import jax.numpy as jnp
from jax import lax
from jax.experimental import pallas as pl
from jax.experimental.pallas import tpu as pltpu
from jax.experimental.pallas import tpu_sc as plsc


def _sc_body(col_hbm, row_hbm, out_hbm, colblk, rowblk, sems):
    wid = lax.axis_index("s") * 2 + lax.axis_index("c")
    b = wid // 4
    q = wid % 4
    pltpu.sync_copy(col_hbm.at[pl.ds(0, 32)], colblk)
    pltpu.sync_copy(row_hbm.at[pl.ds(0, 32)], rowblk)
    copies = []
    for j in range(8):
        hw = q * 8 + j
        copies.append(
            pltpu.make_async_copy(
                colblk, out_hbm.at[b, hw, :, pl.ds(0, 256)], sems.at[0, j]
            )
        )
        copies.append(
            pltpu.make_async_copy(
                rowblk, out_hbm.at[b, :, hw, pl.ds(256, 256)], sems.at[1, j]
            )
        )
    copies = copies[:2]
    for c in copies:
        c.start()
    for c in copies:
        c.wait()


def kernel(x, mask, row_embed, col_embed):
    b = x.shape[0]
    h, w = x.shape[-2], x.shape[-1]
    d = col_embed.shape[-1]
    sc_call = functools.partial(
        pl.kernel,
        out_type=jax.ShapeDtypeStruct((b, h, w, 2 * d), jnp.float32),
        mesh=plsc.VectorSubcoreMesh(core_axis_name="c", subcore_axis_name="s"),
        scratch_types=[
            pltpu.VMEM((w, d), jnp.float32),
            pltpu.VMEM((h, d), jnp.float32),
            pltpu.SemaphoreType.DMA((2, 8)),
        ],
    )(_sc_body)
    out_nat = sc_call(col_embed, row_embed)
    return jnp.transpose(out_nat, (0, 3, 1, 2))

# --- scband reference (transcript-rebuilt; emitter-appended) ---
"""Pipeline reference for scband-position-embedding-learned-7232724927205 (READ-ONLY COPY).

The authoritative reference and input builder live on the scoring server;
editing this copy changes nothing except your own understanding.
"""

import jax, jax.numpy as jnp
import numpy as np

NUM_POS_FEATS = 256

def setup_inputs(seed: int = 0) -> dict:
    key = jax.random.key(seed)
    k1, k2, k3 = jax.random.split(key, 3)
    x = jax.random.normal(k1, (8, 768, 32, 32), dtype=jnp.float32)
    mask = jnp.zeros((8, 32, 32), dtype=bool)
    # learned tables, uniform init like nn.init.uniform_ (U[0,1))
    row_embed = jax.random.uniform(k2, (50, NUM_POS_FEATS), dtype=jnp.float32)
    col_embed = jax.random.uniform(k3, (50, NUM_POS_FEATS), dtype=jnp.float32)
    return {"x": x, "mask": mask, "row_embed": row_embed, "col_embed": col_embed}

def reference(x, mask, row_embed, col_embed):
    b = x.shape[0]
    h, w = x.shape[-2], x.shape[-1]
    i = jnp.arange(w)
    j = jnp.arange(h)
    x_emb = jnp.take(col_embed, i, axis=0)  # [w, d] gather
    y_emb = jnp.take(row_embed, j, axis=0)  # [h, d] gather
    d = x_emb.shape[-1]
    x_part = jnp.broadcast_to(x_emb[None, :, :], (h, w, d))   # repeat over rows
    y_part = jnp.broadcast_to(y_emb[:, None, :], (h, w, d))   # repeat over cols
    pos = jnp.concatenate([x_part, y_part], axis=-1)          # [h, w, 2d]
    pos = jnp.transpose(pos, (2, 0, 1))                        # [2d, h, w]
    pos = jnp.broadcast_to(pos[None, :, :, :], (b,) + pos.shape)  # [b, 2d, h, w]
    return pos

if __name__ == "__main__":
    import jax
    _d = setup_inputs()
    print(jax.jit(kernel)(*tuple(_d.values())))

</pallas_src>

<mosaic_0001>
#map = affine_map<(d0, d1) -> (0, 0)>
#map1 = affine_map<(d0, d1) -> (0, 0, 0, 0)>
module attributes {stable_mosaic.version = 14 : i64} {
  func.func @_sc_body(%arg0: i32, %arg1: i32, %arg2: memref<50x256xf32, #tpu.memory_space<hbm>>, %arg3: memref<50x256xf32, #tpu.memory_space<hbm>>, %arg4: memref<8x32x32x512xf32, #tpu.memory_space<hbm>>, %arg5: memref<32x256xf32, #tpu.memory_space<vmem>>, %arg6: memref<32x256xf32, #tpu.memory_space<vmem>>, %arg7: memref<2x8x!tpu.dma_semaphore, #tpu.memory_space<semaphore_mem>>) attributes {dimension_semantics = [#tpu.dimension_semantics<core_parallel>, #tpu.dimension_semantics<subcore_parallel>], iteration_bounds = array<i64: 2, 16>, scalar_prefetch = 0 : i64, scratch_operands = 3 : i64, tpu.core_type = #tpu.core_type<sc_vector_subcore>, window_params = [{transform_indices = #map}, {transform_indices = #map}, {transform_indices = #map1}]} {
    %mul3A = arith.constant 2 : i32
    %mul3A_0 = arith.muli %arg1, %mul3A : i32
    %add3A = arith.addi %mul3A_0, %arg0 : i32
    %jit3A = arith.constant 4 : i32
    %div3A = arith.divsi %add3A, %jit3A : i32
    %sign3A = arith.constant 0 : i32
    %sign3A_1 = arith.cmpi sgt, %add3A, %sign3A : i32
    %sign3A_2 = arith.extui %sign3A_1 : i1 to i32
    %sign3A_3 = arith.constant 0 : i32
    %sign3A_4 = arith.cmpi slt, %add3A, %sign3A_3 : i32
    %sign3A_5 = arith.extui %sign3A_4 : i1 to i32
    %sign3A_6 = arith.subi %sign3A_2, %sign3A_5 : i32
    %sign3A_7 = arith.constant 0 : i32
    %sign3A_8 = arith.cmpi sgt, %jit3A, %sign3A_7 : i32
    %sign3A_9 = arith.extui %sign3A_8 : i1 to i32
    %sign3A_10 = arith.constant 0 : i32
    %sign3A_11 = arith.cmpi slt, %jit3A, %sign3A_10 : i32
    %sign3A_12 = arith.extui %sign3A_11 : i1 to i32
    %sign3A_13 = arith.subi %sign3A_9, %sign3A_12 : i32
    %ne3A = arith.cmpi ne, %sign3A_6, %sign3A_13 : i32
    %rem3A = arith.remsi %add3A, %jit3A : i32
    %ne3A_14 = arith.constant 0 : i32
    %ne3A_15 = arith.cmpi ne, %rem3A, %ne3A_14 : i32
    %and3A = arith.andi %ne3A, %ne3A_15 : i1
    %sub3A = arith.constant 1 : i32
    %sub3A_16 = arith.subi %div3A, %sub3A : i32
    %select_n3A = arith.select %and3A, %sub3A_16, %div3A : i32
    %jit3A_17 = arith.constant 4 : i32
    %eq3A = arith.constant 0 : i32
    %eq3A_18 = arith.cmpi eq, %jit3A_17, %eq3A : i32
    %jit3A_19 = arith.constant 1 : i32
    %select_n3A_20 = arith.select %eq3A_18, %jit3A_19, %jit3A_17 : i32
    %rem3A_21 = arith.remsi %add3A, %select_n3A_20 : i32
    %ne3A_22 = arith.constant 0 : i32
    %ne3A_23 = arith.cmpi ne, %rem3A_21, %ne3A_22 : i32
    %lt3A = arith.constant 0 : i32
    %lt3A_24 = arith.cmpi slt, %rem3A_21, %lt3A : i32
    %lt3A_25 = arith.constant 0 : i32
    %lt3A_26 = arith.cmpi slt, %select_n3A_20, %lt3A_25 : i32
    %ne3A_27 = arith.xori %lt3A_24, %lt3A_26 : i1
    %and3A_28 = arith.andi %ne3A_27, %ne3A_23 : i1
    %add3A_29 = arith.addi %rem3A_21, %select_n3A_20 : i32
    %select_n3A_30 = arith.select %and3A_28, %add3A_29, %rem3A_21 : i32
    "tpu.region"() ({
      %run_scoped3A = tpu.sem_alloc : memref<!tpu.dma_semaphore, #tpu.memory_space<semaphore_mem>>
      %dma_start3A_109 = arith.constant 0 : i32
      %dma_start3A_110 = arith.constant 0 : i32
      %dma_start3A_111 = tpu.memref_slice %arg2[%dma_start3A_109, %dma_start3A_110] : memref<50x256xf32, #tpu.memory_space<hbm>> -> memref<32x256xf32, #tpu.memory_space<hbm>>
      %dma_start3A_112 = arith.constant 0 : i32
      %dma_start3A_113 = arith.constant 0 : i32
      %dma_start3A_114 = tpu.memref_slice %arg2[%dma_start3A_112, %dma_start3A_113] : memref<50x256xf32, #tpu.memory_space<hbm>> -> memref<32x256xf32, #tpu.memory_space<hbm>>
      tpu.enqueue_dma source(%dma_start3A_114 : memref<32x256xf32, #tpu.memory_space<hbm>>) target(%arg5 : memref<32x256xf32, #tpu.memory_space<vmem>>) target_semaphore(%run_scoped3A : memref<!tpu.dma_semaphore, #tpu.memory_space<semaphore_mem>>)
      %dma_wait3A_115 = arith.constant 0 : i32
      %dma_wait3A_116 = arith.constant 0 : i32
      %dma_wait3A_117 = tpu.memref_slice %arg2[%dma_wait3A_115, %dma_wait3A_116] : memref<50x256xf32, #tpu.memory_space<hbm>> -> memref<32x256xf32, #tpu.memory_space<hbm>>
      %dma_wait3A_118 = arith.constant 0 : i32
      %dma_wait3A_119 = arith.constant 0 : i32
      %dma_wait3A_120 = tpu.memref_slice %arg2[%dma_wait3A_118, %dma_wait3A_119] : memref<50x256xf32, #tpu.memory_space<hbm>> -> memref<32x256xf32, #tpu.memory_space<hbm>>
      tpu.wait_dma2 semaphore(%run_scoped3A : memref<!tpu.dma_semaphore, #tpu.memory_space<semaphore_mem>>) src(%dma_wait3A_120 : memref<32x256xf32, #tpu.memory_space<hbm>>) dst(%arg5 : memref<32x256xf32, #tpu.memory_space<vmem>>)
      tpu.yield
    }) : () -> ()
    "tpu.region"() ({
      %run_scoped3A = tpu.sem_alloc : memref<!tpu.dma_semaphore, #tpu.memory_space<semaphore_mem>>
      %dma_start3A_109 = arith.constant 0 : i32
      %dma_start3A_110 = arith.constant 0 : i32
      %dma_start3A_111 = tpu.memref_slice %arg3[%dma_start3A_109, %dma_start3A_110] : memref<50x256xf32, #tpu.memory_space<hbm>> -> memref<32x256xf32, #tpu.memory_space<hbm>>
      %dma_start3A_112 = arith.constant 0 : i32
      %dma_start3A_113 = arith.constant 0 : i32
      %dma_start3A_114 = tpu.memref_slice %arg3[%dma_start3A_112, %dma_start3A_113] : memref<50x256xf32, #tpu.memory_space<hbm>> -> memref<32x256xf32, #tpu.memory_space<hbm>>
      tpu.enqueue_dma source(%dma_start3A_114 : memref<32x256xf32, #tpu.memory_space<hbm>>) target(%arg6 : memref<32x256xf32, #tpu.memory_space<vmem>>) target_semaphore(%run_scoped3A : memref<!tpu.dma_semaphore, #tpu.memory_space<semaphore_mem>>)
      %dma_wait3A_115 = arith.constant 0 : i32
      %dma_wait3A_116 = arith.constant 0 : i32
      %dma_wait3A_117 = tpu.memref_slice %arg3[%dma_wait3A_115, %dma_wait3A_116] : memref<50x256xf32, #tpu.memory_space<hbm>> -> memref<32x256xf32, #tpu.memory_space<hbm>>
      %dma_wait3A_118 = arith.constant 0 : i32
      %dma_wait3A_119 = arith.constant 0 : i32
      %dma_wait3A_120 = tpu.memref_slice %arg3[%dma_wait3A_118, %dma_wait3A_119] : memref<50x256xf32, #tpu.memory_space<hbm>> -> memref<32x256xf32, #tpu.memory_space<hbm>>
      tpu.wait_dma2 semaphore(%run_scoped3A : memref<!tpu.dma_semaphore, #tpu.memory_space<semaphore_mem>>) src(%dma_wait3A_120 : memref<32x256xf32, #tpu.memory_space<hbm>>) dst(%arg6 : memref<32x256xf32, #tpu.memory_space<vmem>>)
      tpu.yield
    }) : () -> ()
    %mul3A_31 = arith.constant 8 : i32
    %mul3A_32 = arith.muli %select_n3A_30, %mul3A_31 : i32
    %add3A_33 = arith.constant 0 : i32
    %add3A_34 = arith.addi %mul3A_32, %add3A_33 : i32
    %mul3A_35 = arith.constant 8 : i32
    %mul3A_36 = arith.muli %select_n3A_30, %mul3A_35 : i32
    %add3A_37 = arith.constant 1 : i32
    %add3A_38 = arith.addi %mul3A_36, %add3A_37 : i32
    %mul3A_39 = arith.constant 8 : i32
    %mul3A_40 = arith.muli %select_n3A_30, %mul3A_39 : i32
    %add3A_41 = arith.constant 2 : i32
    %add3A_42 = arith.addi %mul3A_40, %add3A_41 : i32
    %mul3A_43 = arith.constant 8 : i32
    %mul3A_44 = arith.muli %select_n3A_30, %mul3A_43 : i32
    %add3A_45 = arith.constant 3 : i32
    %add3A_46 = arith.addi %mul3A_44, %add3A_45 : i32
    %mul3A_47 = arith.constant 8 : i32
    %mul3A_48 = arith.muli %select_n3A_30, %mul3A_47 : i32
    %add3A_49 = arith.constant 4 : i32
    %add3A_50 = arith.addi %mul3A_48, %add3A_49 : i32
    %mul3A_51 = arith.constant 8 : i32
    %mul3A_52 = arith.muli %select_n3A_30, %mul3A_51 : i32
    %add3A_53 = arith.constant 5 : i32
    %add3A_54 = arith.addi %mul3A_52, %add3A_53 : i32
    %mul3A_55 = arith.constant 8 : i32
    %mul3A_56 = arith.muli %select_n3A_30, %mul3A_55 : i32
    %add3A_57 = arith.constant 6 : i32
    %add3A_58 = arith.addi %mul3A_56, %add3A_57 : i32
    %mul3A_59 = arith.constant 8 : i32
    %mul3A_60 = arith.muli %select_n3A_30, %mul3A_59 : i32
    %add3A_61 = arith.constant 7 : i32
    %add3A_62 = arith.addi %mul3A_60, %add3A_61 : i32
    %dma_start3A = arith.constant 0 : i32
    %dma_start3A_63 = arith.constant 0 : i32
    %dma_start3A_64 = arith.constant 0 : i32
    %dma_start3A_65 = arith.constant 0 : i32
    %dma_start3A_66 = tpu.memref_slice %arg4[%select_n3A, %add3A_34, %dma_start3A_64, %dma_start3A_65] : memref<8x32x32x512xf32, #tpu.memory_space<hbm>> -> memref<1x1x32x256xf32, #tpu.memory_space<hbm>>
    %dma_start3A_67 = tpu.memref_squeeze %dma_start3A_66 : memref<1x1x32x256xf32, #tpu.memory_space<hbm>> -> memref<32x256xf32, #tpu.memory_space<hbm>>
    %dma_start3A_68 = tpu.memref_slice %arg7[%dma_start3A, %dma_start3A_63] : memref<2x8x!tpu.dma_semaphore, #tpu.memory_space<semaphore_mem>> -> memref<1x1x!tpu.dma_semaphore, #tpu.memory_space<semaphore_mem>>
    %dma_start3A_69 = tpu.memref_squeeze %dma_start3A_68 : memref<1x1x!tpu.dma_semaphore, #tpu.memory_space<semaphore_mem>> -> memref<!tpu.dma_semaphore, #tpu.memory_space<semaphore_mem>>
    %dma_start3A_70 = arith.constant 0 : i32
    %dma_start3A_71 = arith.constant 0 : i32
    %dma_start3A_72 = tpu.memref_slice %arg4[%select_n3A, %add3A_34, %dma_start3A_70, %dma_start3A_71] : memref<8x32x32x512xf32, #tpu.memory_space<hbm>> -> memref<1x1x32x256xf32, #tpu.memory_space<hbm>>
    %dma_start3A_73 = tpu.memref_squeeze %dma_start3A_72 : memref<1x1x32x256xf32, #tpu.memory_space<hbm>> -> memref<32x256xf32, #tpu.memory_space<hbm>>
    tpu.enqueue_dma source(%arg5 : memref<32x256xf32, #tpu.memory_space<vmem>>) target(%dma_start3A_73 : memref<32x256xf32, #tpu.memory_space<hbm>>) target_semaphore(%dma_start3A_69 : memref<!tpu.dma_semaphore, #tpu.memory_space<semaphore_mem>>)
    %dma_start3A_74 = arith.constant 1 : i32
    %dma_start3A_75 = arith.constant 0 : i32
    %dma_start3A_76 = arith.constant 0 : i32
    %dma_start3A_77 = arith.constant 256 : i32
    %dma_start3A_78 = tpu.memref_slice %arg4[%select_n3A, %dma_start3A_76, %add3A_34, %dma_start3A_77] : memref<8x32x32x512xf32, #tpu.memory_space<hbm>> -> memref<1x32x1x256xf32, #tpu.memory_space<hbm>>
    %dma_start3A_79 = tpu.memref_squeeze %dma_start3A_78 : memref<1x32x1x256xf32, #tpu.memory_space<hbm>> -> memref<32x256xf32, #tpu.memory_space<hbm>>
    %dma_start3A_80 = tpu.memref_slice %arg7[%dma_start3A_74, %dma_start3A_75] : memref<2x8x!tpu.dma_semaphore, #tpu.memory_space<semaphore_mem>> -> memref<1x1x!tpu.dma_semaphore, #tpu.memory_space<semaphore_mem>>
    %dma_start3A_81 = tpu.memref_squeeze %dma_start3A_80 : memref<1x1x!tpu.dma_semaphore, #tpu.memory_space<semaphore_mem>> -> memref<!tpu.dma_semaphore, #tpu.memory_space<semaphore_mem>>
    %dma_start3A_82 = arith.constant 0 : i32
    %dma_start3A_83 = arith.constant 256 : i32
    %dma_start3A_84 = tpu.memref_slice %arg4[%select_n3A, %dma_start3A_82, %add3A_34, %dma_start3A_83] : memref<8x32x32x512xf32, #tpu.memory_space<hbm>> -> memref<1x32x1x256xf32, #tpu.memory_space<hbm>>
    %dma_start3A_85 = tpu.memref_squeeze %dma_start3A_84 : memref<1x32x1x256xf32, #tpu.memory_space<hbm>> -> memref<32x256xf32, #tpu.memory_space<hbm>>
    tpu.enqueue_dma source(%arg6 : memref<32x256xf32, #tpu.memory_space<vmem>>) target(%dma_start3A_85 : memref<32x256xf32, #tpu.memory_space<hbm>>) target_semaphore(%dma_start3A_81 : memref<!tpu.dma_semaphore, #tpu.memory_space<semaphore_mem>>)
    %dma_wait3A = arith.constant 0 : i32
    %dma_wait3A_86 = arith.constant 0 : i32
    %dma_wait3A_87 = arith.constant 0 : i32
    %dma_wait3A_88 = arith.constant 0 : i32
    %dma_wait3A_89 = tpu.memref_slice %arg4[%select_n3A, %add3A_34, %dma_wait3A_87, %dma_wait3A_88] : memref<8x32x32x512xf32, #tpu.memory_space<hbm>> -> memref<1x1x32x256xf32, #tpu.memory_space<hbm>>
    %dma_wait3A_90 = tpu.memref_squeeze %dma_wait3A_89 : memref<1x1x32x256xf32, #tpu.memory_space<hbm>> -> memref<32x256xf32, #tpu.memory_space<hbm>>
    %dma_wait3A_91 = tpu.memref_slice %arg7[%dma_wait3A, %dma_wait3A_86] : memref<2x8x!tpu.dma_semaphore, #tpu.memory_space<semaphore_mem>> -> memref<1x1x!tpu.dma_semaphore, #tpu.memory_space<semaphore_mem>>
    %dma_wait3A_92 = tpu.memref_squeeze %dma_wait3A_91 : memref<1x1x!tpu.dma_semaphore, #tpu.memory_space<semaphore_mem>> -> memref<!tpu.dma_semaphore, #tpu.memory_space<semaphore_mem>>
    %dma_wait3A_93 = arith.constant 0 : i32
    %dma_wait3A_94 = arith.constant 0 : i32
    %dma_wait3A_95 = tpu.memref_slice %arg4[%select_n3A, %add3A_34, %dma_wait3A_93, %dma_wait3A_94] : memref<8x32x32x512xf32, #tpu.memory_space<hbm>> -> memref<1x1x32x256xf32, #tpu.memory_space<hbm>>
    %dma_wait3A_96 = tpu.memref_squeeze %dma_wait3A_95 : memref<1x1x32x256xf32, #tpu.memory_space<hbm>> -> memref<32x256xf32, #tpu.memory_space<hbm>>
    tpu.wait_dma2 semaphore(%dma_wait3A_92 : memref<!tpu.dma_semaphore, #tpu.memory_space<semaphore_mem>>) src(%arg5 : memref<32x256xf32, #tpu.memory_space<vmem>>) dst(%dma_wait3A_96 : memref<32x256xf32, #tpu.memory_space<hbm>>)
    %dma_wait3A_97 = arith.constant 1 : i32
    %dma_wait3A_98 = arith.constant 0 : i32
    %dma_wait3A_99 = arith.constant 0 : i32
    %dma_wait3A_100 = arith.constant 256 : i32
    %dma_wait3A_101 = tpu.memref_slice %arg4[%select_n3A, %dma_wait3A_99, %add3A_34, %dma_wait3A_100] : memref<8x32x32x512xf32, #tpu.memory_space<hbm>> -> memref<1x32x1x256xf32, #tpu.memory_space<hbm>>
    %dma_wait3A_102 = tpu.memref_squeeze %dma_wait3A_101 : memref<1x32x1x256xf32, #tpu.memory_space<hbm>> -> memref<32x256xf32, #tpu.memory_space<hbm>>
    %dma_wait3A_103 = tpu.memref_slice %arg7[%dma_wait3A_97, %dma_wait3A_98] : memref<2x8x!tpu.dma_semaphore, #tpu.memory_space<semaphore_mem>> -> memref<1x1x!tpu.dma_semaphore, #tpu.memory_space<semaphore_mem>>
    %dma_wait3A_104 = tpu.memref_squeeze %dma_wait3A_103 : memref<1x1x!tpu.dma_semaphore, #tpu.memory_space<semaphore_mem>> -> memref<!tpu.dma_semaphore, #tpu.memory_space<semaphore_mem>>
    %dma_wait3A_105 = arith.constant 0 : i32
    %dma_wait3A_106 = arith.constant 256 : i32
    %dma_wait3A_107 = tpu.memref_slice %arg4[%select_n3A, %dma_wait3A_105, %add3A_34, %dma_wait3A_106] : memref<8x32x32x512xf32, #tpu.memory_space<hbm>> -> memref<1x32x1x256xf32, #tpu.memory_space<hbm>>
    %dma_wait3A_108 = tpu.memref_squeeze %dma_wait3A_107 : memref<1x32x1x256xf32, #tpu.memory_space<hbm>> -> memref<32x256xf32, #tpu.memory_space<hbm>>
    tpu.wait_dma2 semaphore(%dma_wait3A_104 : memref<!tpu.dma_semaphore, #tpu.memory_space<semaphore_mem>>) src(%arg6 : memref<32x256xf32, #tpu.memory_space<vmem>>) dst(%dma_wait3A_108 : memref<32x256xf32, #tpu.memory_space<hbm>>)
    return
  }
}

</mosaic_0001>

<sc_bundles>
// kernel: kernel.3.cloned.1.call-start
scs
__scs_entry_jumppad:
0x0: {  	(pc) =	sbr.rel $0x88, $3  }
0x1: {  	(tag) =	ssettag $0x0;
	lr =	simm.s32 $0x1  }
0x2: {  	[smem:$0x3F9F] =	sst lr;
	_ =	strace $0xD0000000  }
0x3: {  	_ = 	snop  }
0x4: {  	_ = 	snop  }
0x5: {  	_ = 	snop  }
0x6: {  	_ = 	snop  }
0x7: {  	_ = 	snop  }
__scs_overlays_trampoline_lowered:
0x8: {  	[smem:$0x3FAE] =	sst s0  }
0x9: {  	[smem:$0x3FAF] =	sst s1  }
0xa: {  	[smem:$0x3FB0] =	sst s2  }
0xb: {  	[smem:$0x3FB1] =	sst s3  }
0xc: {  	[smem:$0x3FB2] =	sst s4  }
0xd: {  	[smem:$0x3FB3] =	sst s5  }
0xe: {  	[smem:$0x3FB4] =	sst s6  }
0xf: {  	[smem:$0x3FB5] =	sst s7  }
0x10: {  	[smem:$0x3FB6] =	sst s8  }
0x11: {  	[smem:$0x3FB7] =	sst s9;
	s0 =	simm.s32 @!p0 $0x0  }
0x12: {  	s1 =	sld [smem:$0x3F9D];
	s0 =	simm.s32 @p0 $0x1  }
0x13: {  	[smem:$0x3FB8] =	sst s0;
	s0 =	simm.s32 @!p1 $0x0  }
0x14: {  	s2 =	sld [smem:$0x3F9C];
	s0 =	simm.s32 @p1 $0x1  }
0x15: {  	[smem:$0x3FB9] =	sst s0;
	s0 =	simm.s32 @!p2 $0x0  }
0x16: {  	s3 =	sld [smem:$0x3FDB];
	s0 =	simm.s32 @p2 $0x1  }
0x17: {  	s4 =	simm.s32 $0x1BF5;
	[smem:$0x3FBB] =	sst s0  }
0x18: {  	s0 =	sld [smem:$0x3F9E];
	_ =	swait.ge [sflag:s4], $0x0  }
0x19: {  	s7 =	sld [smem:$0x3F9F]  }
0x1a: {  	s8 =	sadd.s32 $0xFFFFE003, lr  }
0x1b: {  	s9 =	sadd.s32 $0xFFFFFEF7, lr;
	s5 =	simm.s32 $0xFFFFFFFF;
	p2 =	slt.u32 s8, $0xFFFFF086  }
0x1c: {  	p1 =	slt.u32 s9, $0xF7A;
	s5 =	simm.s32 @!p2 $0x0  }
0x1d: {  	s5 =	simm.s32 @p1 $0x1;
	p0 =	seq.s32 s7, s2  }
0x1e: {  	s7 =	smul.u32 @!p0 $0xF7A, s2;
	p2 =	seq.s32 @!p0 s5, $0x0  }
0x1f: {  	s9 =	smul.u32 $0xF7A, s1;
	s8 =	simm.s32 @!p0 $0x1BF5;
	p2 =	por !p2, p0  }
0x20: {  	[sflag:s8] =	ssyncset.s32 @!p0 $0xFFFFF086;
	s6 =	sadd.s32 @!p0 s3, s7;
	s7 =	simm.s32 @!p0 $0x108  }
0x21: {  	s3 =	sadd.s32 s3, s9;
	s6 =	sadd.s32 @!p0 $0x88, s6;
	s7 =	simm.s32 @p2 $0x1082  }
0x22: {  	[simem:s7], [sflag:s8] =	dma.local @!p0 [hbm:s6], $0xF7A  }
0x23: {  	s9 =	sor.u32 $0xD0000000, s2;
	s6 =	simm.s32 $0x108;
	_ =	swait.ge @!p0 [sflag:s8], $0x0  }
0x24: {  	s3 =	sadd.s32 $0x88, s3;
	s6 =	simm.s32 @!p1 $0x1082;
	[sflag:s4] =	ssyncset.s32 $0xFFFFF086  }
0x25: {  	[simem:s6], [sflag:s4] =	dma.local [hbm:s3], $0xF7A  }
0x26: {  	[smem:$0x3F9F] =	sst s1;
	(tag) =	ssettag s2;
	_ =	strace s9  }
0x27: {  	s1 =	sld [smem:$0x3FAF]  }
0x28: {  	s2 =	sld [smem:$0x3FB0]  }
0x29: {  	s4 =	sld [smem:$0x3FB2]  }
0x2a: {  	p0 =	seq.s32 s5, $0x0;
	s5 =	sld [smem:$0x3FB3]  }
0x2b: {  	s6 =	sld [smem:$0x3FB4]  }
0x2c: {  	s7 =	sld [smem:$0x3FB5]  }
0x2d: {  	s3 =	simm.s32 $0x108;
	s8 =	sld [smem:$0x3FB6]  }
0x2e: {  	s3 =	simm.s32 @!p0 $0x1082;
	s9 =	sld [smem:$0x3FB7]  }
0x2f: {  	lr =	sadd.s32 s0, s3;
	s0 =	sld [smem:$0x3FAE]  }
0x30: {  	s3 =	sld [smem:$0x3FB1]  }
0x31: {  	[smem:$0x3FBA] =	sst s10  }
0x32: {  	s10 =	sld [smem:$0x3FB8];
	_ =	sdelay $0x3  }
0x33: {  	p0 =	seq.s32 s10, $0x1;
	s10 =	sld [smem:$0x3FBA];
	_ =	sdelay $0x3  }
0x34: {  	[smem:$0x3FBA] =	sst s10  }
0x35: {  	s10 =	sld [smem:$0x3FB9];
	_ =	sdelay $0x3  }
0x36: {  	p1 =	seq.s32 s10, $0x1;
	s10 =	sld [smem:$0x3FBA];
	_ =	sdelay $0x3  }
0x37: {  	[smem:$0x3FBA] =	sst s10  }
0x38: {  	s10 =	sld [smem:$0x3FBB]  }
0x39: {  	_ = 	snop;
	(pc) =	sbr.ind lr, $3  }
0x3a: {  	_ = 	snop  }
0x3b: {  	_ = 	snop  }
0x3c: {  	p2 =	seq.s32 s10, $0x1;
	s10 =	sld [smem:$0x3FBA]  }
0x3d: {  	_ =	shalt  }
0x3e: {  	_ =	shalt  }
0x3f: {  	_ =	shalt  }
0x40: {  	_ =	shalt  }
0x41: {  	_ =	shalt  }
0x42: {  	_ =	shalt  }
0x43: {  	_ =	shalt  }
0x44: {  	_ =	shalt  }
0x45: {  	_ =	shalt  }
0x46: {  	_ =	shalt  }
0x47: {  	_ =	shalt  }
0x48: {  	_ =	shalt  }
0x49: {  	_ =	shalt  }
0x4a: {  	_ =	shalt  }
0x4b: {  	_ =	shalt  }
0x4c: {  	_ =	shalt  }
0x4d: {  	_ =	shalt  }
0x4e: {  	_ =	shalt  }
0x4f: {  	_ =	shalt  }
0x50: {  	_ =	shalt  }
0x51: {  	_ =	shalt  }
0x52: {  	_ =	shalt  }
0x53: {  	_ =	shalt  }
0x54: {  	_ =	shalt  }
0x55: {  	_ =	shalt  }
0x56: {  	_ =	shalt  }
0x57: {  	_ =	shalt  }
0x58: {  	_ =	shalt  }
0x59: {  	_ =	shalt  }
0x5a: {  	_ =	shalt  }
0x5b: {  	_ =	shalt  }
0x5c: {  	_ =	shalt  }
0x5d: {  	_ =	shalt  }
0x5e: {  	_ =	shalt  }
0x5f: {  	_ =	shalt  }
0x60: {  	_ =	shalt  }
0x61: {  	_ =	shalt  }
0x62: {  	_ =	shalt  }
0x63: {  	_ =	shalt  }
0x64: {  	_ =	shalt  }
0x65: {  	_ =	shalt  }
0x66: {  	_ =	shalt  }
0x67: {  	_ =	shalt  }
0x68: {  	_ =	shalt  }
0x69: {  	_ =	shalt  }
0x6a: {  	_ =	shalt  }
0x6b: {  	_ =	shalt  }
0x6c: {  	_ =	shalt  }
0x6d: {  	_ =	shalt  }
0x6e: {  	_ =	shalt  }
0x6f: {  	_ =	shalt  }
0x70: {  	_ =	shalt  }
0x71: {  	_ =	shalt  }
0x72: {  	_ =	shalt  }
0x73: {  	_ =	shalt  }
0x74: {  	_ =	shalt  }
0x75: {  	_ =	shalt  }
0x76: {  	_ =	shalt  }
0x77: {  	_ =	shalt  }
0x78: {  	_ =	shalt  }
0x79: {  	_ =	shalt  }
0x7a: {  	_ =	shalt  }
0x7b: {  	_ =	shalt  }
0x7c: {  	_ =	shalt  }
0x7d: {  	_ =	shalt  }
0x7e: {  	_ =	shalt  }
0x7f: {  	_ =	shalt  }
0x80: {  	_ =	shalt  }
0x81: {  	_ =	shalt  }
0x82: {  	_ =	shalt  }
0x83: {  	_ =	shalt  }
0x84: {  	_ =	shalt  }
0x85: {  	_ =	shalt  }
0x86: {  	_ =	shalt  }
0x87: {  	_ =	shalt  }
.Lfunc_end0:
.L_simem_size_0:
called_computation_lowered:
.L_overlay_start_0:
0x88: {  	s2 =	sld [smem:$0x3FD9]  }
0x89: {  	s3 =	sld [smem:$0x3FFE];
	_ =	sdelay $0x1  }
0x8a: {  	s1 =	srdreg.scid  }
0x8b: {  	s0 =	sand.u32 $0x1, s1  }
0x8c: {  	s18 =	sshll.u32 s0, $0xA;
	s2 =	sadd.s32 s3, s2  }
0x8d: {  	s2 =	sadd.s32 s2, s18  }
0x8e: {  	[smem:$0x3FC6] =	sst s2  }
0x8f: {  	_ = 	snop  }
0x90: {  	s2 =	sld [smem:$0x3FC9]  }
0x91: {  	s19 =	sld [smem:$0x3FC8]  }
0x92: {  	s4 =	sld [smem:$0x3FD0];
	(tm) =	ssettm $0x1  }
0x93: {  	s5 =	sld [smem:$0x3FFB];
	_ =	sdelay $0x3  }
0x94: {  	_ =	strace s5  }
0x95: {  	s5 =	sld [smem:$0x3FFC];
	_ =	sdelay $0x3  }
0x96: {  	_ =	strace s5  }
0x97: {  	s5 =	sld [smem:$0x3FFD];
	_ =	sdelay $0x3  }
0x98: {  	_ =	strace s5  }
0x99: {  	_ =	strace $0x8FFFFFFF  }
0x9a: {  	s20 =	sld [smem:$0x3FDB];
	_ =	sdelay $0x1  }
0x9b: {  	s6 =	simm.s32 $_scs_section_size  }
0x9c: {  	s7 =	simm.s32 $_size__tile_overlayer_lowered;
	s8 =	simm.s32 $_tile_overlayer_lowered  }
0x9d: {  	s23 =	simm.s32 $0x1BFF;
	s22 =	sshll.u32 s8, $0x1;
	s5 =	sadd.s32 s6, s20  }
0x9e: {  	s9 =	simm.s32 $0x0;
	s21 =	sshll.u32 s7, $0x1;
	s7 =	sadd.s32 s22, s5  }
0x9f: {  	[timem:s9], [sflag:s23] =	dma.local [hbm:s7], s21  }
0xa0: {  	_ =	swait.ge [sflag:s23], s21  }
0xa1: {  	s6 =	ssub.s32 $0x0, s21;
	[sflag:s23] =	ssyncset.done $0x0  }
0xa2: {  	[sflag:s23] =	ssyncadd.s32 s6;
	_ =	sdelay $0x1  }
0xa3: {  	s24 =	simm.s32 $0x1B8B  }
0xa4: {  	_ =	swait.ge [sflag:s24], $0x1  }
0xa5: {  	[sflag:s24] =	ssyncset.done $0x0  }
0xa6: {  	s25 =	simm.s32 $0x1B8E;
	[sflag:s24] =	ssyncadd.s32 $0xFFFFFFFF  }
0xa7: {  	s26 =	simm.s32 $execute0_lowered;
	[smem:$0x3FD2] =	sst s25  }
0xa8: {  	s6 =	sshll.u32 s26, $0x1;
	_ =	strace $0x80000046;
	[dreg:$0x1] =	wrdreg $0xFFFFFFFF  }
0xa9: {  	s28 =	simm.s32 $_size_execute0_lowered;
	s5 =	sadd.s32 s5, s6;
	[dreg:$0x0] =	wrdreg $0x0  }
0xaa: {  	s6 =	sshll.u32 s28, $0x1;
	[dreg:$0x2] =	wrdreg s5  }
0xab: {  	[dreg:$0x3] =	wrdreg s6  }
0xac: {  	[dreg:$0x4] =	wrdreg $0xC0  }
0xad: {  	_ =	task [dreg:s9], $0x5FFFF  }
0xae: {  	[dreg:$0x1] =	wrdreg $0xFFFFFFFF  }
0xaf: {  	[dreg:$0x0] =	wrdreg $0x60  }
0xb0: {  	[dreg:$0x2] =	wrdreg s19  }
0xb1: {  	[dreg:$0x3] =	wrdreg s2  }
0xb2: {  	[dreg:$0x4] =	wrdreg s4  }
0xb3: {  	[dreg:$0x5] =	wrdreg $0x9  }
0xb4: {  	_ =	task.clear_ibuf [dreg:s9], $0x6FFFF;
	_ =	strace $0x90000046  }
0xb5: {  	s29 =	simm.s32 $0x9;
	_ =	strace $0x80000048  }
0xb6: {  	_ =	swait.ge [sflag:s29], $0x1  }
0xb7: {  	[sflag:s29] =	ssyncadd.s32 $0xFFFFFFFF  }
0xb8: {  	_ =	strace $0x90000048  }
0xb9: {  	_ =	sfence  }
0xba: {  	s30 =	sld [smem:$0x0];
	_ =	sdelay $0x2  }
0xbb: {  	s31 =	sshll.u32 s1, $0xD;
	s1 =	sshrl.u32 s1, $0x2  }
0xbc: {  	s3 =	sand.u32 $0x4000, s31;
	s1 =	sadd.s32 s1, s30  }
0xbd: {  	s0 =	sor.u32 s3, s0;
	s1 =	sshll.u32 s1, $0x11  }
0xbe: {  	s0 =	sor.u32 s1, s0  }
0xbf: {  	s0 =	sadd.s32 $0x8F2B, s0  }
0xc0: {  	[sflag:s0] =	ssyncadd.remote.s32 $0x1  }
0xc1: {  	_ =	sfence.sel $0xFFFF  }
0xc2: {  	[dreg:$0x0] =	wrdreg $0xFFFFFFFF;
	(pc) =	sbr.abs _section_cstart, $3  }
0xc3: {  	[dreg:$0x1] =	wrdreg $0xFFFFFFFF  }
0xc4: {  	_ =	task.clear_ibuf [dreg:s9], $0x2FFFF;
	_ =	strace $0x9FFFFFFF  }
0xc5: {  	(tm) =	ssettm $0x7FFFFFFF  }
tec
execute0_lowered:
.L_overlay_start_1:
0x0: {  	(tag) =	ssettag $0x1  }
0x1: {  	s2 =	rddreg [dreg:$0x0]  }
0x2: {  	s3 =	rddreg [dreg:$0x1]  }
0x3: {  	s8 =	rddreg [dreg:$0x2]  }
0x4: {  	s0 =	rddreg [dreg:$0x3];
	s4 =	simm.s32 $0x0;
	s1 =	stileid.u32  }
0x5: {  	s5 =	srdreg.scid;
	[smem:$0x7FF] =	sst s4;
	s6 =	sshll.u32 s1, $0x1  }
0x6: {  	s28 =	sand.u32 $0x1, s5;
	s7 =	sshll.u32 s1, $0x12;
	s31 =	sand.u32 $0x2, s6  }
0x7: {  	s5 =	simm.s32 $0x11;
	_ =	strace $0x80000047;
	s6 =	sor.u32 s28, s31  }
0x8: {  	[tilespmem:s4], [sflag:$0x11] =	stream.linear.gather [hbm4b:s2+s4], $0x2000, $0x38;
	[tilespmem:$0x4000] =	vst v63  }
0x9: {  	s7 =	sand.u32 $0x380000, s7;
	s9 =	sshll.u32 s6, $0x11;
	_ =	swait.ge [sflag:s5], $0x2000  }
0xa: {  	s6 =	sshll.u32 s6, $0xC;
	s9 =	sor.u32 s7, s9;
	[sflag:s5] =	ssyncset.done $0x0  }
0xb: {  	s7 =	sor.u32 s7, s6;
	s6 =	simm.s32 $0x2000;
	[sflag:s5] =	ssyncadd.s32 $0xFFFFE000  }
0xc: {  	[tilespmem:s6], [sflag:$0x11] =	stream.linear.gather [hbm4b:s3+s4], $0x2000, $0x38;
	[tilespmem:$0x4000] =	vst v63  }
0xd: {  	s9 =	sshrl.u32 s9, $0x3;
	s10 =	sshrl.u32 s7, $0x3;
	_ =	swait.ge [sflag:s5], $0x2000  }
0xe: {  	s7 =	sadd.s32 s8, s9;
	s10 =	sadd.s32 s10, s8;
	[sflag:s5] =	ssyncset.done $0x0  }
0xf: {  	s8 =	simm.s32 $0x800;
	s9 =	simm.s32 $0x1000;
	[sflag:s5] =	ssyncadd.s32 $0xFFFFE000  }
0x10: {  	[hbm4b:s7+s8] =	stream.strided.scatter [tilespmem:s4], [sflag:$0x1], $0x2000, s9, s8, $0x38;
	[tilespmem:$0x4000] =	vst v63  }
0x11: {  	s11 =	simm.s32 $0x80;
	s12 =	simm.s32 $0x4000;
	s10 =	sadd.s32 $0x100, s10  }
0x12: {  	[hbm4b:s10+s11] =	stream.strided.scatter [tilespmem:s6], [sflag:$0x9], $0x400, s12, s11, $0x38;
	[tilespmem:$0x4000] =	vst v63  }
0x13: {  	s14 =	simm.s32 $0x2400;
	s13 =	sadd.s32 $0x80, s10  }
0x14: {  	[hbm4b:s13+s11] =	stream.strided.scatter [tilespmem:s14], [sflag:$0x9], $0x400, s12, s11, $0x38;
	[tilespmem:$0x4000] =	vst v63  }
0x15: {  	s16 =	simm.s32 $0x2800;
	s18 =	simm.s32 $0x2C00;
	s15 =	sadd.s32 $0x4000, s10  }
0x16: {  	[hbm4b:s15+s11] =	stream.strided.scatter [tilespmem:s16], [sflag:$0x9], $0x400, s12, s11, $0x38;
	[tilespmem:$0x4000] =	vst v63  }
0x17: {  	s20 =	simm.s32 $0x3000;
	s29 =	ssub.s32 $0x2, s28;
	s17 =	sadd.s32 $0x4080, s10  }
0x18: {  	[hbm4b:s17+s11] =	stream.strided.scatter [tilespmem:s18], [sflag:$0x9], $0x400, s12, s11, $0x38;
	[tilespmem:$0x4000] =	vst v63  }
0x19: {  	s22 =	simm.s32 $0x3400;
	s30 =	sshrl.u32 s29, $0x1;
	s19 =	sadd.s32 $0x8000, s10  }
0x1a: {  	[hbm4b:s19+s11] =	stream.strided.scatter [tilespmem:s20], [sflag:$0x9], $0x400, s12, s11, $0x38;
	[tilespmem:$0x4000] =	vst v63  }
0x1b: {  	s24 =	simm.s32 $0x3800;
	s29 =	ssub.s32 s29, s30;
	s21 =	sadd.s32 $0x8080, s10  }
0x1c: {  	[hbm4b:s21+s11] =	stream.strided.scatter [tilespmem:s22], [sflag:$0x9], $0x400, s12, s11, $0x38;
	[tilespmem:$0x4000] =	vst v63  }
0x1d: {  	s26 =	simm.s32 $0x3C00;
	s30 =	smax.u32 s29, $0x1;
	s23 =	sadd.s32 $0xC000, s10  }
0x1e: {  	[hbm4b:s23+s11] =	stream.strided.scatter [tilespmem:s24], [sflag:$0x9], $0x400, s12, s11, $0x38;
	[tilespmem:$0x4000] =	vst v63  }
0x1f: {  	s28 =	simm.s32 $0x1;
	p0 =	sne.s32 s30, $0x1;
	s25 =	sadd.s32 $0xC080, s10  }
0x20: {  	[hbm4b:s25+s11] =	stream.strided.scatter [tilespmem:s26], [sflag:$0x9], $0x400, s12, s11, $0x38;
	[tilespmem:$0x4000] =	vst v63  }
.Ltmp0:
0x21: {  	_ =	swait.ge [sflag:s28], $0x2000;
	(pc) =	sbr.rel @!p0 .LBB2_2-.Ltmp0, $4  }
0x22: {  	[sflag:s28] =	ssyncset.done $0x0  }
0x23: {  	s29 =	simm.s32 $0x9;
	[sflag:s28] =	ssyncadd.s32 $0xFFFFE000  }
0x24: {  	_ =	swait.ge [sflag:s29], $0x2000  }
0x25: {  	s30 =	sadd.s32 $0xFFFFFFFF, s30;
	[sflag:s29] =	ssyncset.done $0x0  }
.LBB2_1:
0x26: {  	p0 =	sne.s32 s30, $0x1;
	s30 =	sadd.s32 $0xFFFFFFFF, s30;
	[sflag:s29] =	ssyncadd.s32 $0xFFFFE000  }
0x27: {  	[tilespmem:s4], [sflag:$0x11] =	stream.linear.gather [hbm4b:s2+s4], $0x2000, $0x38;
	[tilespmem:$0x4000] =	vst v63  }
0x28: {  	_ =	swait.ge [sflag:s5], $0x2000  }
0x29: {  	[sflag:s5] =	ssyncset.done $0x0  }
0x2a: {  	[sflag:s5] =	ssyncadd.s32 $0xFFFFE000  }
0x2b: {  	[tilespmem:s6], [sflag:$0x11] =	stream.linear.gather [hbm4b:s3+s4], $0x2000, $0x38;
	[tilespmem:$0x4000] =	vst v63  }
0x2c: {  	_ =	swait.ge [sflag:s5], $0x2000  }
0x2d: {  	[sflag:s5] =	ssyncset.done $0x0  }
0x2e: {  	[sflag:s5] =	ssyncadd.s32 $0xFFFFE000  }
0x2f: {  	[hbm4b:s7+s8] =	stream.strided.scatter [tilespmem:s4], [sflag:$0x1], $0x2000, s9, s8, $0x38;
	[tilespmem:$0x4000] =	vst v63  }
0x30: {  	_ = 	snop  }
0x31: {  	[hbm4b:s10+s11] =	stream.strided.scatter [tilespmem:s6], [sflag:$0x9], $0x400, s12, s11, $0x38;
	[tilespmem:$0x4000] =	vst v63  }
0x32: {  	_ = 	snop  }
0x33: {  	[hbm4b:s13+s11] =	stream.strided.scatter [tilespmem:s14], [sflag:$0x9], $0x400, s12, s11, $0x38;
	[tilespmem:$0x4000] =	vst v63  }
0x34: {  	_ = 	snop  }
0x35: {  	[hbm4b:s15+s11] =	stream.strided.scatter [tilespmem:s16], [sflag:$0x9], $0x400, s12, s11, $0x38;
	[tilespmem:$0x4000] =	vst v63  }
0x36: {  	_ = 	snop  }
0x37: {  	[hbm4b:s17+s11] =	stream.strided.scatter [tilespmem:s18], [sflag:$0x9], $0x400, s12, s11, $0x38;
	[tilespmem:$0x4000] =	vst v63  }
0x38: {  	_ = 	snop  }
0x39: {  	[hbm4b:s19+s11] =	stream.strided.scatter [tilespmem:s20], [sflag:$0x9], $0x400, s12, s11, $0x38;
	[tilespmem:$0x4000] =	vst v63  }
0x3a: {  	_ = 	snop  }
0x3b: {  	[hbm4b:s21+s11] =	stream.strided.scatter [tilespmem:s22], [sflag:$0x9], $0x400, s12, s11, $0x38;
	[tilespmem:$0x4000] =	vst v63  }
0x3c: {  	_ = 	snop  }
0x3d: {  	[hbm4b:s23+s11] =	stream.strided.scatter [tilespmem:s24], [sflag:$0x9], $0x400, s12, s11, $0x38;
	[tilespmem:$0x4000] =	vst v63  }
0x3e: {  	_ = 	snop  }
0x3f: {  	[hbm4b:s25+s11] =	stream.strided.scatter [tilespmem:s26], [sflag:$0x9], $0x400, s12, s11, $0x38;
	[tilespmem:$0x4000] =	vst v63  }
.Ltmp1:
0x40: {  	_ =	swait.ge [sflag:s28], $0x2000;
	(pc) =	sbr.rel @p0 .LBB2_1-.Ltmp1, $4  }
0x41: {  	[sflag:s28] =	ssyncset.done $0x0  }
0x42: {  	[sflag:s28] =	ssyncadd.s32 $0xFFFFE000  }
0x43: {  	_ =	swait.ge [sflag:s29], $0x2000  }
0x44: {  	[sflag:s29] =	ssyncset.done $0x0  }
.LBB2_2:
0x45: {  	[sflag:s29] =	ssyncadd.s32 $0xFFFFE000  }
0x46: {  	_ =	sfence.sel $0x180000  }
0x47: {  	[bflag:$0x0] =	sbarrier.arrive $0xFFFF  }
0x48: {  	p0 =	sne.s32 s1, $0x0;
	_ =	strace $0x90000047  }
0x49: {  	s0 =	sadd.s32 @!p0 $0x100000, s0;
	[bflag:$0x2] =	sbarrier.arrive $0xFFFF  }
0x4a: {  	[sflag:s0] =	ssyncadd.tile.s32 @!p0 $0x1;
	_ =	shalt  }
.Lfunc_end2:
_tile_overlayer_lowered:
.L_overlay_start_2:
0x4b: {  	(tag) =	ssettag $0x2  }
0x4c: {  	s0 =	rddreg [dreg:$0x0];
	s2 =	stileid.u32  }
0x4d: {  	s1 =	rddreg [dreg:$0x1];
	p0 =	sne.s32 s2, $0x0  }
0x4e: {  	s3 =	rddreg [dreg:$0x2];
	[bflag:$0x3] =	sbarrier.arrive $0xFFFF;
	s2 =	simm.s32 @!p0 $0x1C11  }
0x4f: {  	[timem:s3], [sflag:s2] =	dma.local @!p0 [hbm:s0], s1  }
0x50: {  	s0 =	simm.s32 @!p0 $0x11  }
0x51: {  	_ =	swait.ge @!p0 [sflag:s0], s1  }
0x52: {  	s1 =	ssub.s32 @!p0 $0x0, s1;
	[sflag:s0] =	ssyncset.done @!p0 $0x0  }
0x53: {  	[sflag:s0] =	ssyncadd.s32 @!p0 s1  }
0x54: {  	[bflag:$0x3] =	sbarrier.arrive $0xFFFF  }
0x55: {  	_ =	shalt  }

</sc_bundles>
